<compile_context>
chip_gen: v7x
topology: tpu7x:2x2x1
jax: 0.10.2.dev20260603
libtpu: 0.0.44.dev20260713+nightly
codegen_flags: <defaults>
</compile_context>

<pallas_src>
import functools

import jax
import jax.numpy as jnp
import numpy as np
from jax import lax
from jax.experimental import pallas as pl
from jax.experimental.pallas import tpu as pltpu
from jax.experimental.pallas import tpu_sc as plsc

_DIM_SIZE = 100000
_N_KEEP = 50000
_ROWS = 64

_L = 16
_NW = 32
_K = 2000
_CPR = _N_KEEP // _K
_NPAIR = _CPR


def _kept_indices():
    cpu = jax.local_devices(backend="cpu")[0]
    with jax.default_device(cpu):
        perm = jax.random.permutation(jax.random.key(42), _DIM_SIZE)
        return np.asarray(perm[:_N_KEEP], dtype=np.int32)


_IDX = _kept_indices()


@functools.lru_cache(maxsize=None)
def _build_kernel():
    mesh = plsc.VectorSubcoreMesh(core_axis_name="c", subcore_axis_name="s")

    @functools.partial(
        pl.kernel,
        mesh=mesh,
        out_type=jax.ShapeDtypeStruct((_ROWS, _N_KEEP), jnp.float32),
        scratch_types=[
            pltpu.VMEM((_DIM_SIZE,), jnp.float32),
            pltpu.VMEM((_K,), jnp.int32),
            pltpu.VMEM((_K,), jnp.int32),
            pltpu.VMEM((_K,), jnp.float32),
            pltpu.VMEM((_K,), jnp.float32),
            pltpu.VMEM_SHARED((_N_KEEP,), jnp.int32),
            pltpu.SemaphoreType.DMA,
            pltpu.SemaphoreType.DMA,
            pltpu.SemaphoreType.DMA,
            pltpu.SemaphoreType.DMA,
            pltpu.SemaphoreType.DMA,
        ],
        compiler_params=pltpu.CompilerParams(
            use_tc_tiling_on_sc=False, needs_layout_passes=False
        ),
    )
    def _gather_kernel(
        x_hbm, idx_hbm, out_hbm,
        row_v, idx0_v, idx1_v, out0_v, out1_v, idx_sh,
        row_sem, idx0_sem, idx1_sem, out0_sem, out1_sem,
    ):
        wid = lax.axis_index("s") * 2 + lax.axis_index("c")
        r0 = wid * 2

        idx_v = [idx0_v, idx1_v]
        out_v = [out0_v, out1_v]
        idx_sem = [idx0_sem, idx1_sem]
        out_sem = [out0_sem, out1_sem]

        def gather_chunk(idx_b, out_b):
            @plsc.parallel_loop(0, _K // _L, unroll=25)
            def _(i):
                sl = pl.ds(i * _L, _L)
                out_b[sl] = plsc.load_gather(row_v, [idx_b[sl]])

        def wait_idx(k):
            pltpu.make_async_copy(
                idx_sh.at[pl.ds(0, _K)], idx_v[k], idx_sem[k]
            ).wait()

        def wait_out(k):
            pltpu.make_async_copy(
                out_v[k], out_hbm.at[0, pl.ds(0, _K)], out_sem[k]
            ).wait()

        row_cp = pltpu.async_copy(x_hbm.at[r0], row_v, row_sem)

        @pl.when(lax.axis_index("s") == 0)
        def _():
            pltpu.sync_copy(idx_hbm, idx_sh)

        plsc.subcore_barrier()
        pltpu.async_copy(idx_sh.at[pl.ds(0, _K)], idx_v[0], idx_sem[0])
        pltpu.async_copy(idx_sh.at[pl.ds(_K, _K)], idx_v[1], idx_sem[1])
        with jax.named_scope("row0_load_wait"):
            row_cp.wait()

        def sub_chunk(t, k):
            g = 2 * t + k
            loc = jnp.where(g >= _CPR, g - _CPR, g)
            r = jnp.where(g >= _CPR, r0 + 1, r0)
            j0 = loc * _K
            wait_idx(k)

            @pl.when(t > 0)
            def _():
                wait_out(k)

            gather_chunk(idx_v[k], out_v[k])
            pltpu.async_copy(out_v[k], out_hbm.at[r, pl.ds(j0, _K)], out_sem[k])

            @pl.when(t < _NPAIR - 1)
            def _():
                gn = g + 2
                j0n = jnp.where(gn >= _CPR, gn - _CPR, gn) * _K
                pltpu.async_copy(
                    idx_sh.at[pl.ds(j0n, _K)], idx_v[k], idx_sem[k]
                )

        def pair_body(t, carry):
            sub_chunk(t, 0)

            @pl.when(t == (_CPR - 1) // 2)
            def _():
                cp = pltpu.async_copy(x_hbm.at[r0 + 1], row_v, row_sem)
                with jax.named_scope("row1_load_wait"):
                    cp.wait()

            sub_chunk(t, 1)
            return carry

        lax.fori_loop(0, _NPAIR, pair_body, 0)

        wait_out(0)
        wait_out(1)

    return _gather_kernel


@jax.jit
def kernel(x):
    return _build_kernel()(x, jnp.asarray(_IDX))

# --- scband reference (transcript-rebuilt; emitter-appended) ---
"""Pipeline reference for scband-dimension-dropout-30365418782896 (READ-ONLY COPY).

The authoritative reference and input builder live on the scoring server;
editing this copy changes nothing except your own understanding.
"""

import jax, jax.numpy as jnp
import numpy as np

DIM = 1
N_KEEP = 50000

def setup_inputs(seed: int = 0) -> dict:
    key = jax.random.key(seed)
    x = jax.random.normal(key, (64, 100000), dtype=jnp.float32)
    return {"x": x}

def reference(x):
    # DimensionDropout: randomly permute indices along `dim` and keep the first n_keep.
    # torch.randperm is replaced by a fixed-key jax permutation for determinism.
    dim_size = x.shape[DIM]
    perm = jax.random.permutation(jax.random.key(42), dim_size)
    idx = perm[:N_KEEP]
    return jnp.take(x, idx, axis=DIM)

if __name__ == "__main__":
    import jax
    _d = setup_inputs()
    print(jax.jit(kernel)(*tuple(_d.values())))

</pallas_src>

<mosaic_0001>
#map = affine_map<(d0, d1) -> (0, 0)>
#map1 = affine_map<(d0, d1) -> (0)>
module attributes {stable_mosaic.version = 14 : i64} {
  func.func @_gather_kernel(%arg0: i32, %arg1: i32, %arg2: memref<64x100000xf32, #tpu.memory_space<hbm>>, %arg3: memref<50000xi32, #tpu.memory_space<hbm>>, %arg4: memref<64x50000xf32, #tpu.memory_space<hbm>>, %arg5: memref<100000xf32, #tpu.memory_space<vmem>>, %arg6: memref<2000xi32, #tpu.memory_space<vmem>>, %arg7: memref<2000xi32, #tpu.memory_space<vmem>>, %arg8: memref<2000xf32, #tpu.memory_space<vmem>>, %arg9: memref<2000xf32, #tpu.memory_space<vmem>>, %arg10: memref<50000xi32, #tpu.memory_space<vmem_shared>>, %arg11: memref<!tpu.dma_semaphore, #tpu.memory_space<semaphore_mem>>, %arg12: memref<!tpu.dma_semaphore, #tpu.memory_space<semaphore_mem>>, %arg13: memref<!tpu.dma_semaphore, #tpu.memory_space<semaphore_mem>>, %arg14: memref<!tpu.dma_semaphore, #tpu.memory_space<semaphore_mem>>, %arg15: memref<!tpu.dma_semaphore, #tpu.memory_space<semaphore_mem>>) attributes {dimension_semantics = [#tpu.dimension_semantics<core_parallel>, #tpu.dimension_semantics<subcore_parallel>], iteration_bounds = array<i64: 2, 16>, scalar_prefetch = 0 : i64, scratch_operands = 11 : i64, tpu.core_type = #tpu.core_type<sc_vector_subcore>, window_params = [{transform_indices = #map}, {transform_indices = #map1}, {transform_indices = #map}]} {
    %mul3A = arith.constant 2 : i32
    %mul3A_0 = arith.muli %arg1, %mul3A : i32
    %add3A = arith.addi %mul3A_0, %arg0 : i32
    %mul3A_1 = arith.constant 2 : i32
    %mul3A_2 = arith.muli %add3A, %mul3A_1 : i32
    %dma_start3A = arith.constant 0 : i32
    %dma_start3A_3 = tpu.memref_slice %arg2[%mul3A_2, %dma_start3A] : memref<64x100000xf32, #tpu.memory_space<hbm>> -> memref<1x100000xf32, #tpu.memory_space<hbm>>
    %dma_start3A_4 = tpu.memref_squeeze %dma_start3A_3 : memref<1x100000xf32, #tpu.memory_space<hbm>> -> memref<100000xf32, #tpu.memory_space<hbm>>
    %dma_start3A_5 = arith.constant 0 : i32
    %dma_start3A_6 = tpu.memref_slice %arg2[%mul3A_2, %dma_start3A_5] : memref<64x100000xf32, #tpu.memory_space<hbm>> -> memref<1x100000xf32, #tpu.memory_space<hbm>>
    %dma_start3A_7 = tpu.memref_squeeze %dma_start3A_6 : memref<1x100000xf32, #tpu.memory_space<hbm>> -> memref<100000xf32, #tpu.memory_space<hbm>>
    tpu.enqueue_dma source(%dma_start3A_7 : memref<100000xf32, #tpu.memory_space<hbm>>) target(%arg5 : memref<100000xf32, #tpu.memory_space<vmem>>) target_semaphore(%arg11 : memref<!tpu.dma_semaphore, #tpu.memory_space<semaphore_mem>>)
    %eq3A = arith.constant 0 : i32
    %eq3A_8 = arith.cmpi eq, %arg1, %eq3A : i32
    %convert_element_type3A = arith.extui %eq3A_8 : i1 to i32
    %cond3A = arith.constant 0 : i32
    %cond3A_9 = arith.cmpi ne, %convert_element_type3A, %cond3A : i32
    scf.if %cond3A_9 {
      "tpu.region"() ({
        %run_scoped3A = tpu.sem_alloc : memref<!tpu.dma_semaphore, #tpu.memory_space<semaphore_mem>>
        tpu.enqueue_dma source(%arg3 : memref<50000xi32, #tpu.memory_space<hbm>>) target(%arg10 : memref<50000xi32, #tpu.memory_space<vmem_shared>>) target_semaphore(%run_scoped3A : memref<!tpu.dma_semaphore, #tpu.memory_space<semaphore_mem>>)
        tpu.wait_dma2 semaphore(%run_scoped3A : memref<!tpu.dma_semaphore, #tpu.memory_space<semaphore_mem>>) src(%arg3 : memref<50000xi32, #tpu.memory_space<hbm>>) dst(%arg10 : memref<50000xi32, #tpu.memory_space<vmem_shared>>)
        tpu.yield
      }) : () -> ()
    } else {
    }
    %barrier3A = arith.constant 0 : index
    tpu.barrier barrier_id(%barrier3A)
    %dma_start3A_10 = arith.constant 0 : i32
    %dma_start3A_11 = tpu.memref_slice %arg10[%dma_start3A_10] : memref<50000xi32, #tpu.memory_space<vmem_shared>> -> memref<2000xi32, #tpu.memory_space<vmem_shared>>
    %dma_start3A_12 = arith.constant 0 : i32
    %dma_start3A_13 = tpu.memref_slice %arg10[%dma_start3A_12] : memref<50000xi32, #tpu.memory_space<vmem_shared>> -> memref<2000xi32, #tpu.memory_space<vmem_shared>>
    tpu.enqueue_dma source(%dma_start3A_13 : memref<2000xi32, #tpu.memory_space<vmem_shared>>) target(%arg6 : memref<2000xi32, #tpu.memory_space<vmem>>) target_semaphore(%arg12 : memref<!tpu.dma_semaphore, #tpu.memory_space<semaphore_mem>>)
    %dma_start3A_14 = arith.constant 2000 : i32
    %dma_start3A_15 = tpu.memref_slice %arg10[%dma_start3A_14] : memref<50000xi32, #tpu.memory_space<vmem_shared>> -> memref<2000xi32, #tpu.memory_space<vmem_shared>>
    %dma_start3A_16 = arith.constant 2000 : i32
    %dma_start3A_17 = tpu.memref_slice %arg10[%dma_start3A_16] : memref<50000xi32, #tpu.memory_space<vmem_shared>> -> memref<2000xi32, #tpu.memory_space<vmem_shared>>
    tpu.enqueue_dma source(%dma_start3A_17 : memref<2000xi32, #tpu.memory_space<vmem_shared>>) target(%arg7 : memref<2000xi32, #tpu.memory_space<vmem>>) target_semaphore(%arg13 : memref<!tpu.dma_semaphore, #tpu.memory_space<semaphore_mem>>)
    "tpu.trace_start"() <{level = 10 : i32, message = "row0_load_wait"}> : () -> ()
    %dma_wait3A = arith.constant 0 : i32
    %dma_wait3A_18 = tpu.memref_slice %arg2[%mul3A_2, %dma_wait3A] : memref<64x100000xf32, #tpu.memory_space<hbm>> -> memref<1x100000xf32, #tpu.memory_space<hbm>>
    %dma_wait3A_19 = tpu.memref_squeeze %dma_wait3A_18 : memref<1x100000xf32, #tpu.memory_space<hbm>> -> memref<100000xf32, #tpu.memory_space<hbm>>
    %dma_wait3A_20 = arith.constant 0 : i32
    %dma_wait3A_21 = tpu.memref_slice %arg2[%mul3A_2, %dma_wait3A_20] : memref<64x100000xf32, #tpu.memory_space<hbm>> -> memref<1x100000xf32, #tpu.memory_space<hbm>>
    %dma_wait3A_22 = tpu.memref_squeeze %dma_wait3A_21 : memref<1x100000xf32, #tpu.memory_space<hbm>> -> memref<100000xf32, #tpu.memory_space<hbm>>
    tpu.wait_dma2 semaphore(%arg11 : memref<!tpu.dma_semaphore, #tpu.memory_space<semaphore_mem>>) src(%dma_wait3A_22 : memref<100000xf32, #tpu.memory_space<hbm>>) dst(%arg5 : memref<100000xf32, #tpu.memory_space<vmem>>)
    "tpu.trace_stop"() : () -> ()
    %scan3A = arith.constant 0 : i32
    %scan3A_23 = arith.constant 0 : i32
    %scan3A_24 = arith.constant 25 : i32
    %scan3A_25 = arith.addi %scan3A_23, %scan3A_24 : i32
    %scan3A_26 = arith.constant 1 : i32
    scf.for %scan3A_42 = %scan3A_23 to %scan3A_25 step %scan3A_26  : i32 {
      %mul3A_43 = arith.constant 2 : i32
      %mul3A_44 = arith.muli %mul3A_43, %scan3A_42 : i32
      %add3A_45 = arith.constant 0 : i32
      %add3A_46 = arith.addi %mul3A_44, %add3A_45 : i32
      %ge3A = arith.constant 25 : i32
      %ge3A_47 = arith.cmpi sge, %add3A_46, %ge3A : i32
      %sub3A = arith.constant 25 : i32
      %sub3A_48 = arith.subi %add3A_46, %sub3A : i32
      %select_n3A = arith.select %ge3A_47, %sub3A_48, %add3A_46 : i32
      %ge3A_49 = arith.constant 25 : i32
      %ge3A_50 = arith.cmpi sge, %add3A_46, %ge3A_49 : i32
      %add3A_51 = arith.constant 1 : i32
      %add3A_52 = arith.addi %mul3A_2, %add3A_51 : i32
      %select_n3A_53 = arith.select %ge3A_50, %add3A_52, %mul3A_2 : i32
      %mul3A_54 = arith.constant 2000 : i32
      %mul3A_55 = arith.muli %select_n3A, %mul3A_54 : i32
      %dma_wait3A_56 = arith.constant 0 : i32
      %dma_wait3A_57 = tpu.memref_slice %arg10[%dma_wait3A_56] : memref<50000xi32, #tpu.memory_space<vmem_shared>> -> memref<2000xi32, #tpu.memory_space<vmem_shared>>
      %dma_wait3A_58 = arith.constant 0 : i32
      %dma_wait3A_59 = tpu.memref_slice %arg10[%dma_wait3A_58] : memref<50000xi32, #tpu.memory_space<vmem_shared>> -> memref<2000xi32, #tpu.memory_space<vmem_shared>>
      tpu.wait_dma2 semaphore(%arg12 : memref<!tpu.dma_semaphore, #tpu.memory_space<semaphore_mem>>) src(%dma_wait3A_59 : memref<2000xi32, #tpu.memory_space<vmem_shared>>) dst(%arg6 : memref<2000xi32, #tpu.memory_space<vmem>>)
      %gt3A = arith.constant 0 : i32
      %gt3A_60 = arith.cmpi sgt, %scan3A_42, %gt3A : i32
      %convert_element_type3A_61 = arith.extui %gt3A_60 : i1 to i32
      %cond3A_62 = arith.constant 0 : i32
      %cond3A_63 = arith.cmpi ne, %convert_element_type3A_61, %cond3A_62 : i32
      scf.if %cond3A_63 {
        %dma_wait3A_116 = arith.constant 0 : i32
        %dma_wait3A_117 = arith.constant 0 : i32
        %dma_wait3A_118 = tpu.memref_slice %arg4[%dma_wait3A_116, %dma_wait3A_117] : memref<64x50000xf32, #tpu.memory_space<hbm>> -> memref<1x2000xf32, #tpu.memory_space<hbm>>
        %dma_wait3A_119 = tpu.memref_squeeze %dma_wait3A_118 : memref<1x2000xf32, #tpu.memory_space<hbm>> -> memref<2000xf32, #tpu.memory_space<hbm>>
        %dma_wait3A_120 = arith.constant 0 : i32
        %dma_wait3A_121 = tpu.memref_slice %arg4[%dma_wait3A_116, %dma_wait3A_120] : memref<64x50000xf32, #tpu.memory_space<hbm>> -> memref<1x2000xf32, #tpu.memory_space<hbm>>
        %dma_wait3A_122 = tpu.memref_squeeze %dma_wait3A_121 : memref<1x2000xf32, #tpu.memory_space<hbm>> -> memref<2000xf32, #tpu.memory_space<hbm>>
        tpu.wait_dma2 semaphore(%arg14 : memref<!tpu.dma_semaphore, #tpu.memory_space<semaphore_mem>>) src(%arg8 : memref<2000xf32, #tpu.memory_space<vmem>>) dst(%dma_wait3A_122 : memref<2000xf32, #tpu.memory_space<hbm>>)
      } else {
      }
      %parallel_loop3A = arith.constant 0 : i32
      %parallel_loop3A_64 = arith.constant 125 : i32
      %parallel_loop3A_65 = arith.constant 1 : i32
      scf.for %parallel_loop3A_116 = %parallel_loop3A to %parallel_loop3A_64 step %parallel_loop3A_65  : i32 {
        %parallel_loop3A_117 = arith.constant 16 : i32
        %parallel_loop3A_118 = arith.muli %parallel_loop3A_116, %parallel_loop3A_117 : i32
        %parallel_loop3A_119 = arith.index_cast %parallel_loop3A_118 : i32 to index
        %parallel_loop3A_120 = tpu.vector_load %arg6[%parallel_loop3A_119] {strides = array<i32>} : memref<2000xi32, #tpu.memory_space<vmem>>, vector<16xi32>,
        %parallel_loop3A_121 = tpu.vector_load_idx %arg5[%parallel_loop3A_120] : memref<100000xf32, #tpu.memory_space<vmem>>[vector<16xi32>], vector<16xf32>,
        %parallel_loop3A_122 = arith.index_cast %parallel_loop3A_118 : i32 to index
        %parallel_loop3A_123 = tpu.vector_load %arg8[%parallel_loop3A_122] {strides = array<i32>} : memref<2000xf32, #tpu.memory_space<vmem>>, vector<16xf32>,
        tpu.vector_store %arg8[%parallel_loop3A_122], %parallel_loop3A_121 {strides = array<i32>} : memref<2000xf32, #tpu.memory_space<vmem>>, vector<16xf32>,
      } {sc.loop_unroll_factor = 25 : i64, sc.parallel_access}
      %dma_start3A_66 = tpu.memref_slice %arg4[%select_n3A_53, %mul3A_55] : memref<64x50000xf32, #tpu.memory_space<hbm>> -> memref<1x2000xf32, #tpu.memory_space<hbm>>
      %dma_start3A_67 = tpu.memref_squeeze %dma_start3A_66 : memref<1x2000xf32, #tpu.memory_space<hbm>> -> memref<2000xf32, #tpu.memory_space<hbm>>
      %dma_start3A_68 = tpu.memref_slice %arg4[%select_n3A_53, %mul3A_55] : memref<64x50000xf32, #tpu.memory_space<hbm>> -> memref<1x2000xf32, #tpu.memory_space<hbm>>
      %dma_start3A_69 = tpu.memref_squeeze %dma_start3A_68 : memref<1x2000xf32, #tpu.memory_space<hbm>> -> memref<2000xf32, #tpu.memory_space<hbm>>
      tpu.enqueue_dma source(%arg8 : memref<2000xf32, #tpu.memory_space<vmem>>) target(%dma_start3A_69 : memref<2000xf32, #tpu.memory_space<hbm>>) target_semaphore(%arg14 : memref<!tpu.dma_semaphore, #tpu.memory_space<semaphore_mem>>)
      %lt3A = arith.constant 24 : i32
      %lt3A_70 = arith.cmpi slt, %scan3A_42, %lt3A : i32
      %convert_element_type3A_71 = arith.extui %lt3A_70 : i1 to i32
      %cond3A_72 = arith.constant 0 : i32
      %cond3A_73 = arith.cmpi ne, %convert_element_type3A_71, %cond3A_72 : i32
      scf.if %cond3A_73 {
        %add3A_116 = arith.constant 2 : i32
        %add3A_117 = arith.addi %add3A_46, %add3A_116 : i32
        %ge3A_118 = arith.constant 25 : i32
        %ge3A_119 = arith.cmpi sge, %add3A_117, %ge3A_118 : i32
        %sub3A_120 = arith.constant 25 : i32
        %sub3A_121 = arith.subi %add3A_117, %sub3A_120 : i32
        %select_n3A_122 = arith.select %ge3A_119, %sub3A_121, %add3A_117 : i32
        %mul3A_123 = arith.constant 2000 : i32
        %mul3A_124 = arith.muli %select_n3A_122, %mul3A_123 : i32
        %dma_start3A_125 = tpu.memref_slice %arg10[%mul3A_124] : memref<50000xi32, #tpu.memory_space<vmem_shared>> -> memref<2000xi32, #tpu.memory_space<vmem_shared>>
        %dma_start3A_126 = tpu.memref_slice %arg10[%mul3A_124] : memref<50000xi32, #tpu.memory_space<vmem_shared>> -> memref<2000xi32, #tpu.memory_space<vmem_shared>>
        tpu.enqueue_dma source(%dma_start3A_126 : memref<2000xi32, #tpu.memory_space<vmem_shared>>) target(%arg6 : memref<2000xi32, #tpu.memory_space<vmem>>) target_semaphore(%arg12 : memref<!tpu.dma_semaphore, #tpu.memory_space<semaphore_mem>>)
      } else {
      }
      %eq3A_74 = arith.constant 12 : i32
      %eq3A_75 = arith.cmpi eq, %scan3A_42, %eq3A_74 : i32
      %convert_element_type3A_76 = arith.extui %eq3A_75 : i1 to i32
      %cond3A_77 = arith.constant 0 : i32
      %cond3A_78 = arith.cmpi ne, %convert_element_type3A_76, %cond3A_77 : i32
      scf.if %cond3A_78 {
        %add3A_116 = arith.constant 1 : i32
        %add3A_117 = arith.addi %mul3A_2, %add3A_116 : i32
        %dma_start3A_118 = arith.constant 0 : i32
        %dma_start3A_119 = tpu.memref_slice %arg2[%add3A_117, %dma_start3A_118] : memref<64x100000xf32, #tpu.memory_space<hbm>> -> memref<1x100000xf32, #tpu.memory_space<hbm>>
        %dma_start3A_120 = tpu.memref_squeeze %dma_start3A_119 : memref<1x100000xf32, #tpu.memory_space<hbm>> -> memref<100000xf32, #tpu.memory_space<hbm>>
        %dma_start3A_121 = arith.constant 0 : i32
        %dma_start3A_122 = tpu.memref_slice %arg2[%add3A_117, %dma_start3A_121] : memref<64x100000xf32, #tpu.memory_space<hbm>> -> memref<1x100000xf32, #tpu.memory_space<hbm>>
        %dma_start3A_123 = tpu.memref_squeeze %dma_start3A_122 : memref<1x100000xf32, #tpu.memory_space<hbm>> -> memref<100000xf32, #tpu.memory_space<hbm>>
        tpu.enqueue_dma source(%dma_start3A_123 : memref<100000xf32, #tpu.memory_space<hbm>>) target(%arg5 : memref<100000xf32, #tpu.memory_space<vmem>>) target_semaphore(%arg11 : memref<!tpu.dma_semaphore, #tpu.memory_space<semaphore_mem>>)
        "tpu.trace_start"() <{level = 10 : i32, message = "row1_load_wait"}> : () -> ()
        %dma_wait3A_124 = arith.constant 0 : i32
        %dma_wait3A_125 = tpu.memref_slice %arg2[%add3A_117, %dma_wait3A_124] : memref<64x100000xf32, #tpu.memory_space<hbm>> -> memref<1x100000xf32, #tpu.memory_space<hbm>>
        %dma_wait3A_126 = tpu.memref_squeeze %dma_wait3A_125 : memref<1x100000xf32, #tpu.memory_space<hbm>> -> memref<100000xf32, #tpu.memory_space<hbm>>
        %dma_wait3A_127 = arith.constant 0 : i32
        %dma_wait3A_128 = tpu.memref_slice %arg2[%add3A_117, %dma_wait3A_127] : memref<64x100000xf32, #tpu.memory_space<hbm>> -> memref<1x100000xf32, #tpu.memory_space<hbm>>
        %dma_wait3A_129 = tpu.memref_squeeze %dma_wait3A_128 : memref<1x100000xf32, #tpu.memory_space<hbm>> -> memref<100000xf32, #tpu.memory_space<hbm>>
        tpu.wait_dma2 semaphore(%arg11 : memref<!tpu.dma_semaphore, #tpu.memory_space<semaphore_mem>>) src(%dma_wait3A_129 : memref<100000xf32, #tpu.memory_space<hbm>>) dst(%arg5 : memref<100000xf32, #tpu.memory_space<vmem>>)
        "tpu.trace_stop"() : () -> ()
      } else {
      }
      %mul3A_79 = arith.constant 2 : i32
      %mul3A_80 = arith.muli %mul3A_79, %scan3A_42 : i32
      %add3A_81 = arith.constant 1 : i32
      %add3A_82 = arith.addi %mul3A_80, %add3A_81 : i32
      %ge3A_83 = arith.constant 25 : i32
      %ge3A_84 = arith.cmpi sge, %add3A_82, %ge3A_83 : i32
      %sub3A_85 = arith.constant 25 : i32
      %sub3A_86 = arith.subi %add3A_82, %sub3A_85 : i32
      %select_n3A_87 = arith.select %ge3A_84, %sub3A_86, %add3A_82 : i32
      %ge3A_88 = arith.constant 25 : i32
      %ge3A_89 = arith.cmpi sge, %add3A_82, %ge3A_88 : i32
      %add3A_90 = arith.constant 1 : i32
      %add3A_91 = arith.addi %mul3A_2, %add3A_90 : i32
      %select_n3A_92 = arith.select %ge3A_89, %add3A_91, %mul3A_2 : i32
      %mul3A_93 = arith.constant 2000 : i32
      %mul3A_94 = arith.muli %select_n3A_87, %mul3A_93 : i32
      %dma_wait3A_95 = arith.constant 0 : i32
      %dma_wait3A_96 = tpu.memref_slice %arg10[%dma_wait3A_95] : memref<50000xi32, #tpu.memory_space<vmem_shared>> -> memref<2000xi32, #tpu.memory_space<vmem_shared>>
      %dma_wait3A_97 = arith.constant 0 : i32
      %dma_wait3A_98 = tpu.memref_slice %arg10[%dma_wait3A_97] : memref<50000xi32, #tpu.memory_space<vmem_shared>> -> memref<2000xi32, #tpu.memory_space<vmem_shared>>
      tpu.wait_dma2 semaphore(%arg13 : memref<!tpu.dma_semaphore, #tpu.memory_space<semaphore_mem>>) src(%dma_wait3A_98 : memref<2000xi32, #tpu.memory_space<vmem_shared>>) dst(%arg7 : memref<2000xi32, #tpu.memory_space<vmem>>)
      %gt3A_99 = arith.constant 0 : i32
      %gt3A_100 = arith.cmpi sgt, %scan3A_42, %gt3A_99 : i32
      %convert_element_type3A_101 = arith.extui %gt3A_100 : i1 to i32
      %cond3A_102 = arith.constant 0 : i32
      %cond3A_103 = arith.cmpi ne, %convert_element_type3A_101, %cond3A_102 : i32
      scf.if %cond3A_103 {
        %dma_wait3A_116 = arith.constant 0 : i32
        %dma_wait3A_117 = arith.constant 0 : i32
        %dma_wait3A_118 = tpu.memref_slice %arg4[%dma_wait3A_116, %dma_wait3A_117] : memref<64x50000xf32, #tpu.memory_space<hbm>> -> memref<1x2000xf32, #tpu.memory_space<hbm>>
        %dma_wait3A_119 = tpu.memref_squeeze %dma_wait3A_118 : memref<1x2000xf32, #tpu.memory_space<hbm>> -> memref<2000xf32, #tpu.memory_space<hbm>>
        %dma_wait3A_120 = arith.constant 0 : i32
        %dma_wait3A_121 = tpu.memref_slice %arg4[%dma_wait3A_116, %dma_wait3A_120] : memref<64x50000xf32, #tpu.memory_space<hbm>> -> memref<1x2000xf32, #tpu.memory_space<hbm>>
        %dma_wait3A_122 = tpu.memref_squeeze %dma_wait3A_121 : memref<1x2000xf32, #tpu.memory_space<hbm>> -> memref<2000xf32, #tpu.memory_space<hbm>>
        tpu.wait_dma2 semaphore(%arg15 : memref<!tpu.dma_semaphore, #tpu.memory_space<semaphore_mem>>) src(%arg9 : memref<2000xf32, #tpu.memory_space<vmem>>) dst(%dma_wait3A_122 : memref<2000xf32, #tpu.memory_space<hbm>>)
      } else {
      }
      %parallel_loop3A_104 = arith.constant 0 : i32
      %parallel_loop3A_105 = arith.constant 125 : i32
      %parallel_loop3A_106 = arith.constant 1 : i32
      scf.for %parallel_loop3A_116 = %parallel_loop3A_104 to %parallel_loop3A_105 step %parallel_loop3A_106  : i32 {
        %parallel_loop3A_117 = arith.constant 16 : i32
        %parallel_loop3A_118 = arith.muli %parallel_loop3A_116, %parallel_loop3A_117 : i32
        %parallel_loop3A_119 = arith.index_cast %parallel_loop3A_118 : i32 to index
        %parallel_loop3A_120 = tpu.vector_load %arg7[%parallel_loop3A_119] {strides = array<i32>} : memref<2000xi32, #tpu.memory_space<vmem>>, vector<16xi32>,
        %parallel_loop3A_121 = tpu.vector_load_idx %arg5[%parallel_loop3A_120] : memref<100000xf32, #tpu.memory_space<vmem>>[vector<16xi32>], vector<16xf32>,
        %parallel_loop3A_122 = arith.index_cast %parallel_loop3A_118 : i32 to index
        %parallel_loop3A_123 = tpu.vector_load %arg9[%parallel_loop3A_122] {strides = array<i32>} : memref<2000xf32, #tpu.memory_space<vmem>>, vector<16xf32>,
        tpu.vector_store %arg9[%parallel_loop3A_122], %parallel_loop3A_121 {strides = array<i32>} : memref<2000xf32, #tpu.memory_space<vmem>>, vector<16xf32>,
      } {sc.loop_unroll_factor = 25 : i64, sc.parallel_access}
      %dma_start3A_107 = tpu.memref_slice %arg4[%select_n3A_92, %mul3A_94] : memref<64x50000xf32, #tpu.memory_space<hbm>> -> memref<1x2000xf32, #tpu.memory_space<hbm>>
      %dma_start3A_108 = tpu.memref_squeeze %dma_start3A_107 : memref<1x2000xf32, #tpu.memory_space<hbm>> -> memref<2000xf32, #tpu.memory_space<hbm>>
      %dma_start3A_109 = tpu.memref_slice %arg4[%select_n3A_92, %mul3A_94] : memref<64x50000xf32, #tpu.memory_space<hbm>> -> memref<1x2000xf32, #tpu.memory_space<hbm>>
      %dma_start3A_110 = tpu.memref_squeeze %dma_start3A_109 : memref<1x2000xf32, #tpu.memory_space<hbm>> -> memref<2000xf32, #tpu.memory_space<hbm>>
      tpu.enqueue_dma source(%arg9 : memref<2000xf32, #tpu.memory_space<vmem>>) target(%dma_start3A_110 : memref<2000xf32, #tpu.memory_space<hbm>>) target_semaphore(%arg15 : memref<!tpu.dma_semaphore, #tpu.memory_space<semaphore_mem>>)
      %lt3A_111 = arith.constant 24 : i32
      %lt3A_112 = arith.cmpi slt, %scan3A_42, %lt3A_111 : i32
      %convert_element_type3A_113 = arith.extui %lt3A_112 : i1 to i32
      %cond3A_114 = arith.constant 0 : i32
      %cond3A_115 = arith.cmpi ne, %convert_element_type3A_113, %cond3A_114 : i32
      scf.if %cond3A_115 {
        %add3A_116 = arith.constant 2 : i32
        %add3A_117 = arith.addi %add3A_82, %add3A_116 : i32
        %ge3A_118 = arith.constant 25 : i32
        %ge3A_119 = arith.cmpi sge, %add3A_117, %ge3A_118 : i32
        %sub3A_120 = arith.constant 25 : i32
        %sub3A_121 = arith.subi %add3A_117, %sub3A_120 : i32
        %select_n3A_122 = arith.select %ge3A_119, %sub3A_121, %add3A_117 : i32
        %mul3A_123 = arith.constant 2000 : i32
        %mul3A_124 = arith.muli %select_n3A_122, %mul3A_123 : i32
        %dma_start3A_125 = tpu.memref_slice %arg10[%mul3A_124] : memref<50000xi32, #tpu.memory_space<vmem_shared>> -> memref<2000xi32, #tpu.memory_space<vmem_shared>>
        %dma_start3A_126 = tpu.memref_slice %arg10[%mul3A_124] : memref<50000xi32, #tpu.memory_space<vmem_shared>> -> memref<2000xi32, #tpu.memory_space<vmem_shared>>
        tpu.enqueue_dma source(%dma_start3A_126 : memref<2000xi32, #tpu.memory_space<vmem_shared>>) target(%arg7 : memref<2000xi32, #tpu.memory_space<vmem>>) target_semaphore(%arg13 : memref<!tpu.dma_semaphore, #tpu.memory_space<semaphore_mem>>)
      } else {
      }
    }
    %scan3A_27 = arith.constant 25 : i32
    %dma_wait3A_28 = arith.constant 0 : i32
    %dma_wait3A_29 = arith.constant 0 : i32
    %dma_wait3A_30 = tpu.memref_slice %arg4[%dma_wait3A_28, %dma_wait3A_29] : memref<64x50000xf32, #tpu.memory_space<hbm>> -> memref<1x2000xf32, #tpu.memory_space<hbm>>
    %dma_wait3A_31 = tpu.memref_squeeze %dma_wait3A_30 : memref<1x2000xf32, #tpu.memory_space<hbm>> -> memref<2000xf32, #tpu.memory_space<hbm>>
    %dma_wait3A_32 = arith.constant 0 : i32
    %dma_wait3A_33 = tpu.memref_slice %arg4[%dma_wait3A_28, %dma_wait3A_32] : memref<64x50000xf32, #tpu.memory_space<hbm>> -> memref<1x2000xf32, #tpu.memory_space<hbm>>
    %dma_wait3A_34 = tpu.memref_squeeze %dma_wait3A_33 : memref<1x2000xf32, #tpu.memory_space<hbm>> -> memref<2000xf32, #tpu.memory_space<hbm>>
    tpu.wait_dma2 semaphore(%arg14 : memref<!tpu.dma_semaphore, #tpu.memory_space<semaphore_mem>>) src(%arg8 : memref<2000xf32, #tpu.memory_space<vmem>>) dst(%dma_wait3A_34 : memref<2000xf32, #tpu.memory_space<hbm>>)
    %dma_wait3A_35 = arith.constant 0 : i32
    %dma_wait3A_36 = arith.constant 0 : i32
    %dma_wait3A_37 = tpu.memref_slice %arg4[%dma_wait3A_35, %dma_wait3A_36] : memref<64x50000xf32, #tpu.memory_space<hbm>> -> memref<1x2000xf32, #tpu.memory_space<hbm>>
    %dma_wait3A_38 = tpu.memref_squeeze %dma_wait3A_37 : memref<1x2000xf32, #tpu.memory_space<hbm>> -> memref<2000xf32, #tpu.memory_space<hbm>>
    %dma_wait3A_39 = arith.constant 0 : i32
    %dma_wait3A_40 = tpu.memref_slice %arg4[%dma_wait3A_35, %dma_wait3A_39] : memref<64x50000xf32, #tpu.memory_space<hbm>> -> memref<1x2000xf32, #tpu.memory_space<hbm>>
    %dma_wait3A_41 = tpu.memref_squeeze %dma_wait3A_40 : memref<1x2000xf32, #tpu.memory_space<hbm>> -> memref<2000xf32, #tpu.memory_space<hbm>>
    tpu.wait_dma2 semaphore(%arg15 : memref<!tpu.dma_semaphore, #tpu.memory_space<semaphore_mem>>) src(%arg9 : memref<2000xf32, #tpu.memory_space<vmem>>) dst(%dma_wait3A_41 : memref<2000xf32, #tpu.memory_space<hbm>>)
    return
  }
}

</mosaic_0001>

<sc_bundles>
// kernel: kernel.3.cloned.1.call-start
scs
__scs_entry_jumppad:
0x0: {  	(pc) =	sbr.rel $0x88, $3  }
0x1: {  	(tag) =	ssettag $0x0;
	lr =	simm.s32 $0x1  }
0x2: {  	[smem:$0x3FA0] =	sst lr;
	_ =	strace $0xD0000000  }
0x3: {  	_ = 	snop  }
0x4: {  	_ = 	snop  }
0x5: {  	_ = 	snop  }
0x6: {  	_ = 	snop  }
0x7: {  	_ = 	snop  }
__scs_overlays_trampoline_lowered:
0x8: {  	[smem:$0x3FAF] =	sst s0  }
0x9: {  	[smem:$0x3FB0] =	sst s1  }
0xa: {  	[smem:$0x3FB1] =	sst s2  }
0xb: {  	[smem:$0x3FB2] =	sst s3  }
0xc: {  	[smem:$0x3FB3] =	sst s4  }
0xd: {  	[smem:$0x3FB4] =	sst s5  }
0xe: {  	[smem:$0x3FB5] =	sst s6  }
0xf: {  	[smem:$0x3FB6] =	sst s7  }
0x10: {  	[smem:$0x3FB7] =	sst s8  }
0x11: {  	[smem:$0x3FB8] =	sst s9;
	s0 =	simm.s32 @!p0 $0x0  }
0x12: {  	s1 =	sld [smem:$0x3F9E];
	s0 =	simm.s32 @p0 $0x1  }
0x13: {  	[smem:$0x3FB9] =	sst s0;
	s0 =	simm.s32 @!p1 $0x0  }
0x14: {  	s2 =	sld [smem:$0x3F9D];
	s0 =	simm.s32 @p1 $0x1  }
0x15: {  	[smem:$0x3FBA] =	sst s0;
	s0 =	simm.s32 @!p2 $0x0  }
0x16: {  	s3 =	sld [smem:$0x3FDB];
	s0 =	simm.s32 @p2 $0x1  }
0x17: {  	s4 =	simm.s32 $0x1BF5;
	[smem:$0x3FBC] =	sst s0  }
0x18: {  	s0 =	sld [smem:$0x3F9F];
	_ =	swait.ge [sflag:s4], $0x0  }
0x19: {  	s7 =	sld [smem:$0x3FA0]  }
0x1a: {  	s8 =	sadd.s32 $0xFFFFE003, lr  }
0x1b: {  	s9 =	sadd.s32 $0xFFFFFEF7, lr;
	s5 =	simm.s32 $0xFFFFFFFF;
	p2 =	slt.u32 s8, $0xFFFFF086  }
0x1c: {  	p1 =	slt.u32 s9, $0xF7A;
	s5 =	simm.s32 @!p2 $0x0  }
0x1d: {  	s5 =	simm.s32 @p1 $0x1;
	p0 =	seq.s32 s7, s2  }
0x1e: {  	s7 =	smul.u32 @!p0 $0xF7A, s2;
	p2 =	seq.s32 @!p0 s5, $0x0  }
0x1f: {  	s9 =	smul.u32 $0xF7A, s1;
	s8 =	simm.s32 @!p0 $0x1BF5;
	p2 =	por !p2, p0  }
0x20: {  	[sflag:s8] =	ssyncset.s32 @!p0 $0xFFFFF086;
	s6 =	sadd.s32 @!p0 s3, s7;
	s7 =	simm.s32 @!p0 $0x108  }
0x21: {  	s3 =	sadd.s32 s3, s9;
	s6 =	sadd.s32 @!p0 $0x88, s6;
	s7 =	simm.s32 @p2 $0x1082  }
0x22: {  	[simem:s7], [sflag:s8] =	dma.local @!p0 [hbm:s6], $0xF7A  }
0x23: {  	s9 =	sor.u32 $0xD0000000, s2;
	s6 =	simm.s32 $0x108;
	_ =	swait.ge @!p0 [sflag:s8], $0x0  }
0x24: {  	s3 =	sadd.s32 $0x88, s3;
	s6 =	simm.s32 @!p1 $0x1082;
	[sflag:s4] =	ssyncset.s32 $0xFFFFF086  }
0x25: {  	[simem:s6], [sflag:s4] =	dma.local [hbm:s3], $0xF7A  }
0x26: {  	[smem:$0x3FA0] =	sst s1;
	(tag) =	ssettag s2;
	_ =	strace s9  }
0x27: {  	s1 =	sld [smem:$0x3FB0]  }
0x28: {  	s2 =	sld [smem:$0x3FB1]  }
0x29: {  	s4 =	sld [smem:$0x3FB3]  }
0x2a: {  	p0 =	seq.s32 s5, $0x0;
	s5 =	sld [smem:$0x3FB4]  }
0x2b: {  	s6 =	sld [smem:$0x3FB5]  }
0x2c: {  	s7 =	sld [smem:$0x3FB6]  }
0x2d: {  	s3 =	simm.s32 $0x108;
	s8 =	sld [smem:$0x3FB7]  }
0x2e: {  	s3 =	simm.s32 @!p0 $0x1082;
	s9 =	sld [smem:$0x3FB8]  }
0x2f: {  	lr =	sadd.s32 s0, s3;
	s0 =	sld [smem:$0x3FAF]  }
0x30: {  	s3 =	sld [smem:$0x3FB2]  }
0x31: {  	[smem:$0x3FBB] =	sst s10  }
0x32: {  	s10 =	sld [smem:$0x3FB9];
	_ =	sdelay $0x3  }
0x33: {  	p0 =	seq.s32 s10, $0x1;
	s10 =	sld [smem:$0x3FBB];
	_ =	sdelay $0x3  }
0x34: {  	[smem:$0x3FBB] =	sst s10  }
0x35: {  	s10 =	sld [smem:$0x3FBA];
	_ =	sdelay $0x3  }
0x36: {  	p1 =	seq.s32 s10, $0x1;
	s10 =	sld [smem:$0x3FBB];
	_ =	sdelay $0x3  }
0x37: {  	[smem:$0x3FBB] =	sst s10  }
0x38: {  	s10 =	sld [smem:$0x3FBC]  }
0x39: {  	_ = 	snop;
	(pc) =	sbr.ind lr, $3  }
0x3a: {  	_ = 	snop  }
0x3b: {  	_ = 	snop  }
0x3c: {  	p2 =	seq.s32 s10, $0x1;
	s10 =	sld [smem:$0x3FBB]  }
0x3d: {  	_ =	shalt  }
0x3e: {  	_ =	shalt  }
0x3f: {  	_ =	shalt  }
0x40: {  	_ =	shalt  }
0x41: {  	_ =	shalt  }
0x42: {  	_ =	shalt  }
0x43: {  	_ =	shalt  }
0x44: {  	_ =	shalt  }
0x45: {  	_ =	shalt  }
0x46: {  	_ =	shalt  }
0x47: {  	_ =	shalt  }
0x48: {  	_ =	shalt  }
0x49: {  	_ =	shalt  }
0x4a: {  	_ =	shalt  }
0x4b: {  	_ =	shalt  }
0x4c: {  	_ =	shalt  }
0x4d: {  	_ =	shalt  }
0x4e: {  	_ =	shalt  }
0x4f: {  	_ =	shalt  }
0x50: {  	_ =	shalt  }
0x51: {  	_ =	shalt  }
0x52: {  	_ =	shalt  }
0x53: {  	_ =	shalt  }
0x54: {  	_ =	shalt  }
0x55: {  	_ =	shalt  }
0x56: {  	_ =	shalt  }
0x57: {  	_ =	shalt  }
0x58: {  	_ =	shalt  }
0x59: {  	_ =	shalt  }
0x5a: {  	_ =	shalt  }
0x5b: {  	_ =	shalt  }
0x5c: {  	_ =	shalt  }
0x5d: {  	_ =	shalt  }
0x5e: {  	_ =	shalt  }
0x5f: {  	_ =	shalt  }
0x60: {  	_ =	shalt  }
0x61: {  	_ =	shalt  }
0x62: {  	_ =	shalt  }
0x63: {  	_ =	shalt  }
0x64: {  	_ =	shalt  }
0x65: {  	_ =	shalt  }
0x66: {  	_ =	shalt  }
0x67: {  	_ =	shalt  }
0x68: {  	_ =	shalt  }
0x69: {  	_ =	shalt  }
0x6a: {  	_ =	shalt  }
0x6b: {  	_ =	shalt  }
0x6c: {  	_ =	shalt  }
0x6d: {  	_ =	shalt  }
0x6e: {  	_ =	shalt  }
0x6f: {  	_ =	shalt  }
0x70: {  	_ =	shalt  }
0x71: {  	_ =	shalt  }
0x72: {  	_ =	shalt  }
0x73: {  	_ =	shalt  }
0x74: {  	_ =	shalt  }
0x75: {  	_ =	shalt  }
0x76: {  	_ =	shalt  }
0x77: {  	_ =	shalt  }
0x78: {  	_ =	shalt  }
0x79: {  	_ =	shalt  }
0x7a: {  	_ =	shalt  }
0x7b: {  	_ =	shalt  }
0x7c: {  	_ =	shalt  }
0x7d: {  	_ =	shalt  }
0x7e: {  	_ =	shalt  }
0x7f: {  	_ =	shalt  }
0x80: {  	_ =	shalt  }
0x81: {  	_ =	shalt  }
0x82: {  	_ =	shalt  }
0x83: {  	_ =	shalt  }
0x84: {  	_ =	shalt  }
0x85: {  	_ =	shalt  }
0x86: {  	_ =	shalt  }
0x87: {  	_ =	shalt  }
.Lfunc_end0:
.L_simem_size_0:
called_computation_lowered:
.L_overlay_start_0:
0x88: {  	s2 =	sld [smem:$0x3FD9]  }
0x89: {  	s3 =	sld [smem:$0x3FFE];
	_ =	sdelay $0x1  }
0x8a: {  	s1 =	srdreg.scid  }
0x8b: {  	s0 =	sand.u32 $0x1, s1  }
0x8c: {  	s17 =	sshll.u32 s0, $0xA;
	s2 =	sadd.s32 s3, s2  }
0x8d: {  	s2 =	sadd.s32 s2, s17  }
0x8e: {  	[smem:$0x3FC7] =	sst s2  }
0x8f: {  	_ = 	snop  }
0x90: {  	s2 =	sld [smem:$0x3FD0];
	(tm) =	ssettm $0x1  }
0x91: {  	s18 =	sld [smem:$0x3FFB];
	_ =	sdelay $0x3  }
0x92: {  	_ =	strace s18  }
0x93: {  	s3 =	sld [smem:$0x3FFC];
	_ =	sdelay $0x3  }
0x94: {  	_ =	strace s3  }
0x95: {  	s3 =	sld [smem:$0x3FFD];
	_ =	sdelay $0x3  }
0x96: {  	_ =	strace s3  }
0x97: {  	_ =	strace $0x8FFFFFFF  }
0x98: {  	s19 =	sld [smem:$0x3FDB];
	_ =	sdelay $0x1  }
0x99: {  	s4 =	simm.s32 $_scs_section_size  }
0x9a: {  	s5 =	simm.s32 $_size__tile_overlayer_lowered;
	s6 =	simm.s32 $_tile_overlayer_lowered  }
0x9b: {  	s22 =	simm.s32 $0x1BFF;
	s21 =	sshll.u32 s6, $0x1;
	s3 =	sadd.s32 s4, s19  }
0x9c: {  	s7 =	simm.s32 $0x0;
	s20 =	sshll.u32 s5, $0x1;
	s5 =	sadd.s32 s21, s3  }
0x9d: {  	[timem:s7], [sflag:s22] =	dma.local [hbm:s5], s20  }
0x9e: {  	_ =	swait.ge [sflag:s22], s20  }
0x9f: {  	s4 =	ssub.s32 $0x0, s20;
	[sflag:s22] =	ssyncset.done $0x0  }
0xa0: {  	[sflag:s22] =	ssyncadd.s32 s4;
	_ =	sdelay $0x1  }
0xa1: {  	s23 =	simm.s32 $0x1B8B  }
0xa2: {  	_ =	swait.ge [sflag:s23], $0x1  }
0xa3: {  	[sflag:s23] =	ssyncset.done $0x0  }
0xa4: {  	s25 =	simm.s32 $0x1B8E;
	s24 =	sld [smem:$0x3FFE];
	[sflag:s23] =	ssyncadd.s32 $0xFFFFFFFF  }
0xa5: {  	s26 =	simm.s32 $execute0_lowered;
	[smem:$0x3FD2] =	sst s25  }
0xa6: {  	s5 =	sshll.u32 s26, $0x1;
	_ =	strace $0x80000046;
	[dreg:$0x1] =	wrdreg $0xFFFFFFFF  }
0xa7: {  	s28 =	simm.s32 $_size_execute0_lowered;
	s3 =	sadd.s32 s3, s5;
	[dreg:$0x0] =	wrdreg $0x0  }
0xa8: {  	s5 =	sshll.u32 s28, $0x1;
	[dreg:$0x2] =	wrdreg s3  }
0xa9: {  	[dreg:$0x3] =	wrdreg s5  }
0xaa: {  	[dreg:$0x4] =	wrdreg $0xC0  }
0xab: {  	_ =	task [dreg:s7], $0x5FFFF  }
0xac: {  	[dreg:$0x1] =	wrdreg $0xFFFFFFFF  }
0xad: {  	[dreg:$0x0] =	wrdreg $0x60  }
0xae: {  	[dreg:$0x2] =	wrdreg s24  }
0xaf: {  	[dreg:$0x3] =	wrdreg s2  }
0xb0: {  	[dreg:$0x4] =	wrdreg $0x1A5E00  }
0xb1: {  	[dreg:$0x5] =	wrdreg $0x9  }
0xb2: {  	_ =	task.clear_ibuf [dreg:s7], $0x6FFFF;
	_ =	strace $0x90000046  }
0xb3: {  	s29 =	simm.s32 $0x9;
	_ =	strace $0x8000004A  }
0xb4: {  	_ =	swait.ge [sflag:s29], $0x1  }
0xb5: {  	[sflag:s29] =	ssyncadd.s32 $0xFFFFFFFF  }
0xb6: {  	_ =	strace $0x9000004A  }
0xb7: {  	_ =	sfence  }
0xb8: {  	s30 =	sld [smem:$0x0];
	_ =	sdelay $0x2  }
0xb9: {  	s31 =	sshll.u32 s1, $0xD;
	s1 =	sshrl.u32 s1, $0x2  }
0xba: {  	s3 =	sand.u32 $0x4000, s31;
	s1 =	sadd.s32 s1, s30  }
0xbb: {  	s0 =	sor.u32 s3, s0;
	s1 =	sshll.u32 s1, $0x11  }
0xbc: {  	s0 =	sor.u32 s1, s0  }
0xbd: {  	s0 =	sadd.s32 $0x8F2B, s0  }
0xbe: {  	[sflag:s0] =	ssyncadd.remote.s32 $0x1  }
0xbf: {  	_ =	sfence.sel $0xFFFF  }
0xc0: {  	[dreg:$0x0] =	wrdreg $0xFFFFFFFF;
	(pc) =	sbr.abs _section_cstart, $3  }
0xc1: {  	[dreg:$0x1] =	wrdreg $0xFFFFFFFF  }
0xc2: {  	_ =	task.clear_ibuf [dreg:s7], $0x2FFFF;
	_ =	strace $0x9FFFFFFF  }
0xc3: {  	(tm) =	ssettm $0x7FFFFFFF  }
tec
execute0_lowered:
.L_overlay_start_1:
0x0: {  	(tag) =	ssettag $0x1  }
0x1: {  	s6 =	rddreg [dreg:$0x0]  }
0x2: {  	s1 =	rddreg [dreg:$0x1]  }
0x3: {  	s2 =	rddreg [dreg:$0x2]  }
0x4: {  	s0 =	rddreg [dreg:$0x3];
	s4 =	srdreg.scid  }
0x5: {  	s3 =	simm.s32 $0x0;
	s10 =	stileid.u32;
	s13 =	simm.s32 $0x18E70  }
0x6: {  	s14 =	simm.s32 $0x1;
	s15 =	simm.s32 $0x2;
	s16 =	simm.s32 $0x19640  }
0x7: {  	s17 =	simm.s32 $0x3;
	s18 =	simm.s32 $0x19E10;
	s19 =	simm.s32 $0x4  }
0x8: {  	s20 =	simm.s32 $0x5;
	s21 =	simm.s32 $0x0;
	s5 =	sand.u32 $0x1, s4  }
0x9: {  	[smem:$0x7FF] =	sst s3;
	s30 =	sshll.u32 s10, $0x2;
	s9 =	sadd.s32 $0x600, s6  }
0xa: {  	s6 =	sadd.s32 $0xC3C00, s6;
	p0 =	sne.s32 s10, $0x0;
	s7 =	sshll.u32 s5, $0x1  }
.Ltmp0:
0xb: {  	s31 =	ssub.s32 $0x2, s5;
	s4 =	sor.u32 s7, s30;
	(pc) =	sbr.rel .LBB2_1-.Ltmp0, $4  }
0xc: {  	s11 =	sshrl.u32 s31, $0x1;
	s8 =	smul.u32 $0x30D4, s4;
	s5 =	sor.u32 $0x1, s4  }
0xd: {  	_ =	strace $0x80000047;
	s11 =	ssub.s32 s31, s11;
	s12 =	smul.u32 $0x30D4, s5  }
0xe: {  	s10 =	smax.u32 s11, $0x1;
	s11 =	sshrl.u32 @!p0 s2, $0x3;
	s7 =	sadd.s32 s9, s8  }
0xf: {  	s8 =	sadd.s32 $0x7D0, s2;
	s9 =	sadd.s32 s9, s12;
	s12 =	simm.s32 $0x186A0  }
.LBB2_8:
0x10: {  	s21 =	sadd.s32 $0x1, s21  }
0x11: {  	_ =	swait.ge [sflag:s19], $0x7D0;
	p1 =	sne.s32 s21, s10  }
.Ltmp1:
0x12: {  	[sflag:s19] =	ssyncset.done $0x0;
	(pc) =	sbr.rel @!p1 .LBB2_9-.Ltmp1, $4  }
0x13: {  	[sflag:s19] =	ssyncadd.s32 $0xFFFFF830  }
0x14: {  	_ =	swait.ge [sflag:s20], $0x7D0  }
0x15: {  	[sflag:s20] =	ssyncset.done $0x0  }
0x16: {  	[sflag:s20] =	ssyncadd.s32 $0xFFFFF830  }
.LBB2_1:
0x17: {  	[tilespmem:s3], [sflag:$0x1] =	stream.linear.gather [hbm4b:s7+s3], $0x186A0, $0x38;
	[tilespmem:$0x1B218] =	vst v63  }
0x18: {  	s22 =	simm.s32 @!p0 $0x1C06  }
0x19: {  	[spmem:s11], [sflag:s22] =	dma.local @!p0 [hbm:s1], $0x186A  }
0x1a: {  	s22 =	simm.s32 @!p0 $0x6  }
0x1b: {  	_ =	swait.ge @!p0 [sflag:s22], $0x186A  }
0x1c: {  	[sflag:s22] =	ssyncset.done @!p0 $0x0  }
0x1d: {  	[sflag:s22] =	ssyncadd.s32 @!p0 $0xFFFFE796  }
0x1e: {  	[bflag:$0x0] =	sbarrier.arrive $0xFFFF  }
0x1f: {  	[tilespmem:s12], [sflag:$0x2] =	stream.linear.gather [spmem:s2], $0x7D0, $0x38;
	[tilespmem:$0x1B218] =	vst v63  }
0x20: {  	_ = 	snop  }
0x21: {  	[tilespmem:s13], [sflag:$0x3] =	stream.linear.gather [spmem:s8], $0x7D0, $0x38;
	[tilespmem:$0x1B218] =	vst v63  }
0x22: {  	_ =	strace $0x80000048  }
0x23: {  	_ =	swait.ge [sflag:s14], $0x186A0  }
0x24: {  	[sflag:s14] =	ssyncset.done $0x0  }
0x25: {  	[sflag:s14] =	ssyncadd.s32 $0xFFFE7960  }
0x26: {  	s22 =	simm.s32 $0x0;
	_ =	strace $0x90000048  }
.LBB2_2:
0x27: {  	_ =	swait.ge [sflag:s15], $0x7D0  }
0x28: {  	p2 =	seq.s32 s22, $0x0;
	[sflag:s15] =	ssyncset.done $0x0  }
0x29: {  	s23 =	simm.s32 @!p2 $0x4;
	[sflag:s15] =	ssyncadd.s32 $0xFFFFF830  }
0x2a: {  	_ =	swait.ge @!p2 [sflag:s23], $0x7D0  }
0x2b: {  	[sflag:s23] =	ssyncset.done @!p2 $0x0  }
0x2c: {  	s31 =	simm.s32 $0x18760;
	[sflag:s23] =	ssyncadd.s32 @!p2 $0xFFFFF830  }
0x2d: {  	v0 =	vld [tilespmem:s31+$0xC0]  }
0x2e: {  	v1 =	vld [tilespmem:s31+$0xFFFFFF50]  }
0x2f: {  	v2 =	vld [tilespmem:s31+$0xFFFFFF60]  }
0x30: {  	v3 =	vld [tilespmem:s31+$0xFFFFFF70]  }
0x31: {  	v4 =	vld [tilespmem:s31+$0xFFFFFF80]  }
0x32: {  	v5 =	vld [tilespmem:s31+$0xFFFFFF90]  }
0x33: {  	v6 =	vld [tilespmem:s31+$0xFFFFFFA0]  }
0x34: {  	v7 =	vld [tilespmem:s31+$0xFFFFFFB0]  }
0x35: {  	v8 =	vld [tilespmem:s31+$0xFFFFFFC0]  }
0x36: {  	v9 =	vld [tilespmem:s31+$0xFFFFFFD0]  }
0x37: {  	v10 =	vld [tilespmem:s31+$0xFFFFFFE0]  }
0x38: {  	v11 =	vld [tilespmem:s31+$0xFFFFFFF0]  }
0x39: {  	v12 =	vld [tilespmem:s31+$0x0]  }
0x3a: {  	v13 =	vld [tilespmem:s31+$0x10]  }
0x3b: {  	v14 =	vld [tilespmem:s31+$0x20]  }
0x3c: {  	v15 =	vld [tilespmem:s31+$0x30]  }
0x3d: {  	v16 =	vld [tilespmem:s31+$0x40]  }
0x3e: {  	v17 =	vld [tilespmem:s31+$0x50]  }
0x3f: {  	v18 =	vld [tilespmem:s31+$0x60]  }
0x40: {  	v19 =	vld [tilespmem:s31+$0x70]  }
0x41: {  	v20 =	vld [tilespmem:s31+$0x80]  }
0x42: {  	v21 =	vld [tilespmem:s31+$0x90]  }
0x43: {  	v22 =	vld [tilespmem:s31+$0xA0]  }
0x44: {  	v23 =	vld [tilespmem:s31+$0xB0]  }
0x45: {  	v24 =	vld [tilespmem:s31+$0xFFFFFF40]  }
0x46: {  	v0 =	vld.idx.msk [tilespmem:v0+s3+$0x0], $0xffff  }
0x47: {  	v1 =	vld.idx.msk [tilespmem:v1+s3+$0x0], $0xffff  }
0x48: {  	v2 =	vld.idx.msk [tilespmem:v2+s3+$0x0], $0xffff  }
0x49: {  	v3 =	vld.idx.msk [tilespmem:v3+s3+$0x0], $0xffff  }
0x4a: {  	v4 =	vld.idx.msk [tilespmem:v4+s3+$0x0], $0xffff  }
0x4b: {  	s24 =	simm.s32 $0x19700;
	v5 =	vld.idx.msk [tilespmem:v5+s3+$0x0], $0xffff  }
0x4c: {  	[tilespmem:s24+$0xC0] =	vst v0;
	v0 =	vld.idx.msk [tilespmem:v6+s3+$0x0], $0xffff  }
0x4d: {  	[tilespmem:s24+$0xFFFFFF50] =	vst v1;
	v1 =	vld.idx.msk [tilespmem:v7+s3+$0x0], $0xffff  }
0x4e: {  	v6 =	vld.idx.msk [tilespmem:v24+s3+$0x0], $0xffff;
	[tilespmem:s24+$0xFFFFFF60] =	vst v2  }
0x4f: {  	[tilespmem:s24+$0xFFFFFF70] =	vst v3;
	v2 =	vld.idx.msk [tilespmem:v8+s3+$0x0], $0xffff  }
0x50: {  	[tilespmem:s24+$0xFFFFFF80] =	vst v4;
	v3 =	vld.idx.msk [tilespmem:v9+s3+$0x0], $0xffff  }
0x51: {  	[tilespmem:s24+$0xFFFFFF90] =	vst v5;
	v4 =	vld.idx.msk [tilespmem:v10+s3+$0x0], $0xffff  }
0x52: {  	v5 =	vld.idx.msk [tilespmem:v13+s3+$0x0], $0xffff;
	[tilespmem:s24+$0xFFFFFFA0] =	vst v0  }
0x53: {  	v7 =	vld.idx.msk [tilespmem:v17+s3+$0x0], $0xffff;
	[tilespmem:s24+$0xFFFFFFB0] =	vst v1  }
0x54: {  	v0 =	vld.idx.msk [tilespmem:v11+s3+$0x0], $0xffff;
	[tilespmem:s24+$0xFFFFFF40] =	vst v6  }
0x55: {  	v1 =	vld.idx.msk [tilespmem:v12+s3+$0x0], $0xffff;
	[tilespmem:s24+$0xFFFFFFC0] =	vst v2  }
0x56: {  	v6 =	vld.idx.msk [tilespmem:v14+s3+$0x0], $0xffff;
	[tilespmem:s24+$0xFFFFFFD0] =	vst v3  }
0x57: {  	v3 =	vld.idx.msk [tilespmem:v15+s3+$0x0], $0xffff;
	[tilespmem:s24+$0xFFFFFFE0] =	vst v4  }
0x58: {  	v4 =	vld.idx.msk [tilespmem:v16+s3+$0x0], $0xffff;
	[tilespmem:s24+$0x10] =	vst v5  }
0x59: {  	v2 =	vld.idx.msk [tilespmem:v18+s3+$0x0], $0xffff;
	[tilespmem:s24+$0x50] =	vst v7  }
0x5a: {  	v5 =	vld.idx.msk [tilespmem:v23+s3+$0x0], $0xffff;
	[tilespmem:s24+$0xFFFFFFF0] =	vst v0  }
0x5b: {  	s23 =	sshll.u32 s22, $0x1;
	[tilespmem:s24+$0x0] =	vst v1;
	v0 =	vld.idx.msk [tilespmem:v19+s3+$0x0], $0xffff  }
0x5c: {  	p1 =	sgt.u32 s22, $0xC;
	s26 =	sadd.s32 $0xFFFFFFE7, s23;
	s28 =	smov.u32 s23;
	[tilespmem:s24+$0x20] =	vst v6;
	v1 =	vld.idx.msk [tilespmem:v20+s3+$0x0], $0xffff  }
0x5d: {  	s25 =	smov.u32 s4;
	s29 =	simm.s32 $0x188F0;
	s28 =	smov.u32 @p1 s26;
	[tilespmem:s24+$0x30] =	vst v3;
	v3 =	vld.idx.msk [tilespmem:v21+s3+$0x0], $0xffff  }
0x5e: {  	s25 =	smov.u32 @p1 s5;
	s26 =	smul.u32 $0x7D0, s28;
	s28 =	simm.s32 $0x0;
	[tilespmem:s24+$0x40] =	vst v4;
	v4 =	vld.idx.msk [tilespmem:v22+s3+$0x0], $0xffff  }
.LBB2_3:
0x5f: {  	v6 =	vld [tilespmem:s29+$0xC0];
	s28 =	sadd.s32 $0x19, s28;
	[tilespmem:s24+$0x60] =	vst v2  }
0x60: {  	v2 =	vld [tilespmem:s29+$0xFFFFFF50];
	p1 =	slt.u32 s28, $0x64;
	[tilespmem:s24+$0x70] =	vst v0  }
0x61: {  	v0 =	vld [tilespmem:s29+$0xFFFFFF60];
	[tilespmem:s24+$0x80] =	vst v1  }
0x62: {  	v1 =	vld [tilespmem:s29+$0xFFFFFF70];
	[tilespmem:s24+$0x90] =	vst v3  }
0x63: {  	v3 =	vld [tilespmem:s29+$0xFFFFFF80];
	[tilespmem:s24+$0xA0] =	vst v4  }
0x64: {  	v4 =	vld [tilespmem:s29+$0xFFFFFF90];
	[tilespmem:s24+$0xB0] =	vst v5  }
0x65: {  	v5 =	vld [tilespmem:s29+$0xFFFFFFA0]  }
0x66: {  	v7 =	vld [tilespmem:s29+$0xFFFFFFB0]  }
0x67: {  	v6 =	vld.idx.msk [tilespmem:v6+s3+$0x0], $0xffff  }
0x68: {  	v8 =	vld [tilespmem:s29+$0xFFFFFFC0]  }
0x69: {  	v9 =	vld [tilespmem:s29+$0xFFFFFFD0]  }
0x6a: {  	v10 =	vld [tilespmem:s29+$0xFFFFFFE0]  }
0x6b: {  	v11 =	vld [tilespmem:s29+$0xFFFFFFF0]  }
0x6c: {  	s24 =	sadd.s32 $0x190, s24;
	v12 =	vld [tilespmem:s29+$0x0]  }
0x6d: {  	v13 =	vld [tilespmem:s29+$0x10];
	[tilespmem:s24+$0xC0] =	vst v6  }
0x6e: {  	v6 =	vld [tilespmem:s29+$0x20]  }
0x6f: {  	v14 =	vld [tilespmem:s29+$0x30]  }
0x70: {  	v15 =	vld [tilespmem:s29+$0x40]  }
0x71: {  	v16 =	vld [tilespmem:s29+$0x50]  }
0x72: {  	v17 =	vld [tilespmem:s29+$0x60]  }
0x73: {  	v18 =	vld [tilespmem:s29+$0x70]  }
0x74: {  	v19 =	vld [tilespmem:s29+$0x80]  }
0x75: {  	v20 =	vld [tilespmem:s29+$0x90]  }
0x76: {  	v21 =	vld [tilespmem:s29+$0xA0]  }
0x77: {  	v22 =	vld [tilespmem:s29+$0xB0]  }
0x78: {  	v23 =	vld [tilespmem:s29+$0xFFFFFF40]  }
0x79: {  	v2 =	vld.idx.msk [tilespmem:v2+s3+$0x0], $0xffff  }
0x7a: {  	v0 =	vld.idx.msk [tilespmem:v0+s3+$0x0], $0xffff  }
0x7b: {  	v1 =	vld.idx.msk [tilespmem:v1+s3+$0x0], $0xffff  }
0x7c: {  	v3 =	vld.idx.msk [tilespmem:v3+s3+$0x0], $0xffff  }
0x7d: {  	v4 =	vld.idx.msk [tilespmem:v4+s3+$0x0], $0xffff  }
0x7e: {  	v5 =	vld.idx.msk [tilespmem:v5+s3+$0x0], $0xffff  }
0x7f: {  	[tilespmem:s24+$0xFFFFFF50] =	vst v2;
	v2 =	vld.idx.msk [tilespmem:v7+s3+$0x0], $0xffff  }
0x80: {  	v7 =	vld.idx.msk [tilespmem:v23+s3+$0x0], $0xffff;
	[tilespmem:s24+$0xFFFFFF60] =	vst v0  }
0x81: {  	[tilespmem:s24+$0xFFFFFF70] =	vst v1;
	v0 =	vld.idx.msk [tilespmem:v8+s3+$0x0], $0xffff  }
0x82: {  	[tilespmem:s24+$0xFFFFFF80] =	vst v3;
	v1 =	vld.idx.msk [tilespmem:v9+s3+$0x0], $0xffff  }
0x83: {  	[tilespmem:s24+$0xFFFFFF90] =	vst v4;
	v3 =	vld.idx.msk [tilespmem:v10+s3+$0x0], $0xffff  }
0x84: {  	[tilespmem:s24+$0xFFFFFFA0] =	vst v5;
	v4 =	vld.idx.msk [tilespmem:v11+s3+$0x0], $0xffff  }
0x85: {  	[tilespmem:s24+$0xFFFFFFB0] =	vst v2;
	v2 =	vld.idx.msk [tilespmem:v12+s3+$0x0], $0xffff  }
0x86: {  	[tilespmem:s24+$0xFFFFFF40] =	vst v7;
	v5 =	vld.idx.msk [tilespmem:v13+s3+$0x0], $0xffff  }
0x87: {  	[tilespmem:s24+$0xFFFFFFC0] =	vst v0;
	v6 =	vld.idx.msk [tilespmem:v6+s3+$0x0], $0xffff  }
0x88: {  	[tilespmem:s24+$0xFFFFFFD0] =	vst v1;
	v7 =	vld.idx.msk [tilespmem:v14+s3+$0x0], $0xffff  }
0x89: {  	[tilespmem:s24+$0xFFFFFFE0] =	vst v3;
	v8 =	vld.idx.msk [tilespmem:v15+s3+$0x0], $0xffff  }
0x8a: {  	[tilespmem:s24+$0xFFFFFFF0] =	vst v4;
	v9 =	vld.idx.msk [tilespmem:v16+s3+$0x0], $0xffff  }
0x8b: {  	[tilespmem:s24+$0x0] =	vst v2;
	v2 =	vld.idx.msk [tilespmem:v17+s3+$0x0], $0xffff  }
.Ltmp2:
0x8c: {  	[tilespmem:s24+$0x10] =	vst v5;
	v0 =	vld.idx.msk [tilespmem:v18+s3+$0x0], $0xffff;
	(pc) =	sbr.rel @p1 .LBB2_3-.Ltmp2, $4  }
0x8d: {  	[tilespmem:s24+$0x20] =	vst v6;
	v1 =	vld.idx.msk [tilespmem:v19+s3+$0x0], $0xffff  }
0x8e: {  	[tilespmem:s24+$0x30] =	vst v7;
	v3 =	vld.idx.msk [tilespmem:v20+s3+$0x0], $0xffff  }
0x8f: {  	[tilespmem:s24+$0x40] =	vst v8;
	v4 =	vld.idx.msk [tilespmem:v21+s3+$0x0], $0xffff  }
0x90: {  	s29 =	sadd.s32 $0x190, s29;
	[tilespmem:s24+$0x50] =	vst v9;
	v5 =	vld.idx.msk [tilespmem:v22+s3+$0x0], $0xffff  }
0x91: {  	[tilespmem:s24+$0x60] =	vst v2;
	p1 =	seq.s32 s22, $0x18  }
0x92: {  	[tilespmem:s24+$0x70] =	vst v0;
	s25 =	smul.u32 $0xC350, s25;
	p3 =	sgt.u32 @!p1 s22, $0xB  }
0x93: {  	[tilespmem:s24+$0x80] =	vst v1;
	s28 =	simm.s32 @!p1 $0xFFFFFFE9;
	p3 =	por !p3, p1  }
0x94: {  	[tilespmem:s24+$0x90] =	vst v3;
	s25 =	sadd.s32 s25, s26;
	s28 =	simm.s32 @p3 $0x2  }
0x95: {  	[tilespmem:s24+$0xA0] =	vst v4;
	s25 =	sshrl.u32 s25, $0x3;
	s26 =	sadd.s32 @!p1 s23, s28  }
0x96: {  	[tilespmem:s24+$0xB0] =	vst v5;
	s30 =	sadd.s32 s6, s25;
	s25 =	smul.u32 @!p1 $0x1F40, s26  }
0x97: {  	[hbm4b:s30+s3] =	stream.linear.scatter [tilespmem:s16], [sflag:$0x4], $0x7D0, $0x38;
	[tilespmem:$0x1B218] =	vst v63  }
0x98: {  	p3 =	sne.s32 @!p1 s22, $0xC;
	s24 =	sshra.s32 @!p1 s25, $0x2  }
0x99: {  	p3 =	por p3, p1;
	s25 =	simm.s32 @!p1 $0x186A0;
	s24 =	sadd.s32 @!p1 s24, s2  }
0x9a: {  	[tilespmem:s25], [sflag:$0x2] =	stream.linear.gather @!p1 [spmem:s24], $0x7D0, $0x38;
	[tilespmem:$0x1B218] =	vst v63  }
0x9b: {  	s24 =	simm.s32 @!p3 $0x0  }
0x9c: {  	[tilespmem:s24], [sflag:$0x1] =	stream.linear.gather @!p3 [hbm4b:s9+s24], $0x186A0, $0x38;
	[tilespmem:$0x1B218] =	vst v63  }
0x9d: {  	s24 =	simm.s32 @!p3 $0x1;
	_ =	strace @!p3 $0x80000049  }
0x9e: {  	_ =	swait.ge @!p3 [sflag:s24], $0x186A0  }
0x9f: {  	[sflag:s24] =	ssyncset.done @!p3 $0x0  }
0xa0: {  	[sflag:s24] =	ssyncadd.s32 @!p3 $0xFFFE7960  }
0xa1: {  	_ =	strace @!p3 $0x90000049  }
0xa2: {  	_ =	swait.ge [sflag:s17], $0x7D0  }
0xa3: {  	[sflag:s17] =	ssyncset.done $0x0  }
0xa4: {  	s24 =	simm.s32 @!p2 $0x5;
	[sflag:s17] =	ssyncadd.s32 $0xFFFFF830  }
0xa5: {  	_ =	swait.ge @!p2 [sflag:s24], $0x7D0  }
0xa6: {  	[sflag:s24] =	ssyncset.done @!p2 $0x0  }
0xa7: {  	s31 =	simm.s32 $0x18F30;
	[sflag:s24] =	ssyncadd.s32 @!p2 $0xFFFFF830  }
0xa8: {  	v0 =	vld [tilespmem:s31+$0xC0]  }
0xa9: {  	v1 =	vld [tilespmem:s31+$0xFFFFFF50]  }
0xaa: {  	v2 =	vld [tilespmem:s31+$0xFFFFFF60]  }
0xab: {  	v3 =	vld [tilespmem:s31+$0xFFFFFF70]  }
0xac: {  	v4 =	vld [tilespmem:s31+$0xFFFFFF80]  }
0xad: {  	v5 =	vld [tilespmem:s31+$0xFFFFFF90]  }
0xae: {  	v6 =	vld [tilespmem:s31+$0xFFFFFFA0]  }
0xaf: {  	v7 =	vld [tilespmem:s31+$0xFFFFFFB0]  }
0xb0: {  	v8 =	vld [tilespmem:s31+$0xFFFFFFC0]  }
0xb1: {  	v9 =	vld [tilespmem:s31+$0xFFFFFFD0]  }
0xb2: {  	v10 =	vld [tilespmem:s31+$0xFFFFFFE0]  }
0xb3: {  	v11 =	vld [tilespmem:s31+$0xFFFFFFF0]  }
0xb4: {  	v12 =	vld [tilespmem:s31+$0x0]  }
0xb5: {  	v13 =	vld [tilespmem:s31+$0x10]  }
0xb6: {  	v14 =	vld [tilespmem:s31+$0x20]  }
0xb7: {  	v15 =	vld [tilespmem:s31+$0x30]  }
0xb8: {  	v16 =	vld [tilespmem:s31+$0x40]  }
0xb9: {  	v17 =	vld [tilespmem:s31+$0x50]  }
0xba: {  	v18 =	vld [tilespmem:s31+$0x60]  }
0xbb: {  	v19 =	vld [tilespmem:s31+$0x70]  }
0xbc: {  	v20 =	vld [tilespmem:s31+$0x80]  }
0xbd: {  	v21 =	vld [tilespmem:s31+$0x90]  }
0xbe: {  	v22 =	vld [tilespmem:s31+$0xA0]  }
0xbf: {  	v23 =	vld [tilespmem:s31+$0xB0]  }
0xc0: {  	v24 =	vld [tilespmem:s31+$0xFFFFFF40]  }
0xc1: {  	v0 =	vld.idx.msk [tilespmem:v0+s3+$0x0], $0xffff  }
0xc2: {  	v1 =	vld.idx.msk [tilespmem:v1+s3+$0x0], $0xffff  }
0xc3: {  	v2 =	vld.idx.msk [tilespmem:v2+s3+$0x0], $0xffff  }
0xc4: {  	v3 =	vld.idx.msk [tilespmem:v3+s3+$0x0], $0xffff  }
0xc5: {  	v4 =	vld.idx.msk [tilespmem:v4+s3+$0x0], $0xffff  }
0xc6: {  	s24 =	simm.s32 $0x19ED0;
	v5 =	vld.idx.msk [tilespmem:v5+s3+$0x0], $0xffff  }
0xc7: {  	[tilespmem:s24+$0xC0] =	vst v0;
	v0 =	vld.idx.msk [tilespmem:v6+s3+$0x0], $0xffff  }
0xc8: {  	[tilespmem:s24+$0xFFFFFF50] =	vst v1;
	v1 =	vld.idx.msk [tilespmem:v7+s3+$0x0], $0xffff  }
0xc9: {  	v6 =	vld.idx.msk [tilespmem:v24+s3+$0x0], $0xffff;
	[tilespmem:s24+$0xFFFFFF60] =	vst v2  }
0xca: {  	[tilespmem:s24+$0xFFFFFF70] =	vst v3;
	v2 =	vld.idx.msk [tilespmem:v8+s3+$0x0], $0xffff  }
0xcb: {  	[tilespmem:s24+$0xFFFFFF80] =	vst v4;
	v3 =	vld.idx.msk [tilespmem:v9+s3+$0x0], $0xffff  }
0xcc: {  	[tilespmem:s24+$0xFFFFFF90] =	vst v5;
	v4 =	vld.idx.msk [tilespmem:v10+s3+$0x0], $0xffff  }
0xcd: {  	v5 =	vld.idx.msk [tilespmem:v13+s3+$0x0], $0xffff;
	[tilespmem:s24+$0xFFFFFFA0] =	vst v0  }
0xce: {  	v0 =	vld.idx.msk [tilespmem:v11+s3+$0x0], $0xffff;
	[tilespmem:s24+$0xFFFFFFB0] =	vst v1  }
0xcf: {  	v1 =	vld.idx.msk [tilespmem:v12+s3+$0x0], $0xffff;
	[tilespmem:s24+$0xFFFFFF40] =	vst v6  }
0xd0: {  	[tilespmem:s24+$0xFFFFFFC0] =	vst v2;
	v2 =	vld.idx.msk [tilespmem:v14+s3+$0x0], $0xffff  }
0xd1: {  	[tilespmem:s24+$0xFFFFFFD0] =	vst v3;
	v3 =	vld.idx.msk [tilespmem:v15+s3+$0x0], $0xffff  }
0xd2: {  	[tilespmem:s24+$0xFFFFFFE0] =	vst v4;
	v4 =	vld.idx.msk [tilespmem:v16+s3+$0x0], $0xffff  }
0xd3: {  	v6 =	vld.idx.msk [tilespmem:v17+s3+$0x0], $0xffff;
	[tilespmem:s24+$0x10] =	vst v5  }
0xd4: {  	v5 =	vld.idx.msk [tilespmem:v23+s3+$0x0], $0xffff;
	[tilespmem:s24+$0xFFFFFFF0] =	vst v0  }
0xd5: {  	[tilespmem:s24+$0x0] =	vst v1;
	v0 =	vld.idx.msk [tilespmem:v18+s3+$0x0], $0xffff  }
0xd6: {  	v1 =	vld.idx.msk [tilespmem:v19+s3+$0x0], $0xffff;
	[tilespmem:s24+$0x20] =	vst v2  }
0xd7: {  	s28 =	sadd.s32 $0xFFFFFFE8, s23;
	s26 =	sor.u32 $0x1, s23;
	p2 =	sgt.u32 s22, $0xB;
	v2 =	vld.idx.msk [tilespmem:v20+s3+$0x0], $0xffff;
	[tilespmem:s24+$0x30] =	vst v3  }
0xd8: {  	s29 =	simm.s32 $0x190C0;
	s25 =	smov.u32 s4;
	s26 =	smov.u32 @p2 s28;
	v3 =	vld.idx.msk [tilespmem:v21+s3+$0x0], $0xffff;
	[tilespmem:s24+$0x40] =	vst v4  }
0xd9: {  	s25 =	smov.u32 @p2 s5;
	s28 =	simm.s32 $0x0;
	s26 =	smul.u32 $0x7D0, s26;
	v4 =	vld.idx.msk [tilespmem:v22+s3+$0x0], $0xffff;
	[tilespmem:s24+$0x50] =	vst v6  }
.LBB2_5:
0xda: {  	v6 =	vld [tilespmem:s29+$0xC0];
	s28 =	sadd.s32 $0x19, s28;
	[tilespmem:s24+$0x60] =	vst v0  }
0xdb: {  	v0 =	vld [tilespmem:s29+$0xFFFFFF50];
	p2 =	slt.u32 s28, $0x64;
	[tilespmem:s24+$0x70] =	vst v1  }
0xdc: {  	v1 =	vld [tilespmem:s29+$0xFFFFFF60];
	[tilespmem:s24+$0x80] =	vst v2  }
0xdd: {  	v2 =	vld [tilespmem:s29+$0xFFFFFF70];
	[tilespmem:s24+$0x90] =	vst v3  }
0xde: {  	v3 =	vld [tilespmem:s29+$0xFFFFFF80];
	[tilespmem:s24+$0xA0] =	vst v4  }
0xdf: {  	v4 =	vld [tilespmem:s29+$0xFFFFFF90];
	[tilespmem:s24+$0xB0] =	vst v5  }
0xe0: {  	v5 =	vld [tilespmem:s29+$0xFFFFFFA0]  }
0xe1: {  	v7 =	vld [tilespmem:s29+$0xFFFFFFB0]  }
0xe2: {  	v6 =	vld.idx.msk [tilespmem:v6+s3+$0x0], $0xffff  }
0xe3: {  	v8 =	vld [tilespmem:s29+$0xFFFFFFC0]  }
0xe4: {  	v9 =	vld [tilespmem:s29+$0xFFFFFFD0]  }
0xe5: {  	v10 =	vld [tilespmem:s29+$0xFFFFFFE0]  }
0xe6: {  	v11 =	vld [tilespmem:s29+$0xFFFFFFF0]  }
0xe7: {  	s24 =	sadd.s32 $0x190, s24;
	v12 =	vld [tilespmem:s29+$0x0]  }
0xe8: {  	v13 =	vld [tilespmem:s29+$0x10];
	[tilespmem:s24+$0xC0] =	vst v6  }
0xe9: {  	v6 =	vld [tilespmem:s29+$0x20]  }
0xea: {  	v14 =	vld [tilespmem:s29+$0x30]  }
0xeb: {  	v15 =	vld [tilespmem:s29+$0x40]  }
0xec: {  	v16 =	vld [tilespmem:s29+$0x50]  }
0xed: {  	v17 =	vld [tilespmem:s29+$0x60]  }
0xee: {  	v18 =	vld [tilespmem:s29+$0x70]  }
0xef: {  	v19 =	vld [tilespmem:s29+$0x80]  }
0xf0: {  	v20 =	vld [tilespmem:s29+$0x90]  }
0xf1: {  	v21 =	vld [tilespmem:s29+$0xA0]  }
0xf2: {  	v22 =	vld [tilespmem:s29+$0xB0]  }
0xf3: {  	v23 =	vld [tilespmem:s29+$0xFFFFFF40]  }
0xf4: {  	v0 =	vld.idx.msk [tilespmem:v0+s3+$0x0], $0xffff  }
0xf5: {  	v1 =	vld.idx.msk [tilespmem:v1+s3+$0x0], $0xffff  }
0xf6: {  	v2 =	vld.idx.msk [tilespmem:v2+s3+$0x0], $0xffff  }
0xf7: {  	v3 =	vld.idx.msk [tilespmem:v3+s3+$0x0], $0xffff  }
0xf8: {  	v4 =	vld.idx.msk [tilespmem:v4+s3+$0x0], $0xffff  }
0xf9: {  	v5 =	vld.idx.msk [tilespmem:v5+s3+$0x0], $0xffff  }
0xfa: {  	[tilespmem:s24+$0xFFFFFF50] =	vst v0;
	v0 =	vld.idx.msk [tilespmem:v7+s3+$0x0], $0xffff  }
0xfb: {  	v7 =	vld.idx.msk [tilespmem:v23+s3+$0x0], $0xffff;
	[tilespmem:s24+$0xFFFFFF60] =	vst v1  }
0xfc: {  	[tilespmem:s24+$0xFFFFFF70] =	vst v2;
	v1 =	vld.idx.msk [tilespmem:v8+s3+$0x0], $0xffff  }
0xfd: {  	[tilespmem:s24+$0xFFFFFF80] =	vst v3;
	v2 =	vld.idx.msk [tilespmem:v9+s3+$0x0], $0xffff  }
0xfe: {  	[tilespmem:s24+$0xFFFFFF90] =	vst v4;
	v3 =	vld.idx.msk [tilespmem:v10+s3+$0x0], $0xffff  }
0xff: {  	[tilespmem:s24+$0xFFFFFFA0] =	vst v5;
	v4 =	vld.idx.msk [tilespmem:v11+s3+$0x0], $0xffff  }
0x100: {  	[tilespmem:s24+$0xFFFFFFB0] =	vst v0;
	v0 =	vld.idx.msk [tilespmem:v12+s3+$0x0], $0xffff  }
0x101: {  	[tilespmem:s24+$0xFFFFFF40] =	vst v7;
	v5 =	vld.idx.msk [tilespmem:v13+s3+$0x0], $0xffff  }
0x102: {  	[tilespmem:s24+$0xFFFFFFC0] =	vst v1;
	v6 =	vld.idx.msk [tilespmem:v6+s3+$0x0], $0xffff  }
0x103: {  	[tilespmem:s24+$0xFFFFFFD0] =	vst v2;
	v7 =	vld.idx.msk [tilespmem:v14+s3+$0x0], $0xffff  }
0x104: {  	[tilespmem:s24+$0xFFFFFFE0] =	vst v3;
	v8 =	vld.idx.msk [tilespmem:v15+s3+$0x0], $0xffff  }
0x105: {  	[tilespmem:s24+$0xFFFFFFF0] =	vst v4;
	v9 =	vld.idx.msk [tilespmem:v16+s3+$0x0], $0xffff  }
0x106: {  	[tilespmem:s24+$0x0] =	vst v0;
	v0 =	vld.idx.msk [tilespmem:v17+s3+$0x0], $0xffff  }
.Ltmp3:
0x107: {  	[tilespmem:s24+$0x10] =	vst v5;
	v1 =	vld.idx.msk [tilespmem:v18+s3+$0x0], $0xffff;
	(pc) =	sbr.rel @p2 .LBB2_5-.Ltmp3, $4  }
0x108: {  	[tilespmem:s24+$0x20] =	vst v6;
	v2 =	vld.idx.msk [tilespmem:v19+s3+$0x0], $0xffff  }
0x109: {  	[tilespmem:s24+$0x30] =	vst v7;
	v3 =	vld.idx.msk [tilespmem:v20+s3+$0x0], $0xffff  }
0x10a: {  	[tilespmem:s24+$0x40] =	vst v8;
	v4 =	vld.idx.msk [tilespmem:v21+s3+$0x0], $0xffff  }
0x10b: {  	s29 =	sadd.s32 $0x190, s29;
	[tilespmem:s24+$0x50] =	vst v9;
	v5 =	vld.idx.msk [tilespmem:v22+s3+$0x0], $0xffff  }
0x10c: {  	[tilespmem:s24+$0x60] =	vst v0  }
0x10d: {  	[tilespmem:s24+$0x70] =	vst v1;
	s25 =	smul.u32 $0xC350, s25  }
.Ltmp4:
0x10e: {  	[tilespmem:s24+$0x80] =	vst v2;
	(pc) =	sbr.rel @p1 .LBB2_8-.Ltmp4, $4  }
0x10f: {  	[tilespmem:s24+$0x90] =	vst v3;
	s25 =	sadd.s32 s25, s26  }
0x110: {  	[tilespmem:s24+$0xA0] =	vst v4;
	s25 =	sshrl.u32 s25, $0x3  }
0x111: {  	[tilespmem:s24+$0xB0] =	vst v5;
	s31 =	sadd.s32 s6, s25  }
0x112: {  	[hbm4b:s31+s3] =	stream.linear.scatter [tilespmem:s18], [sflag:$0x5], $0x7D0, $0x38;
	[tilespmem:$0x1B218] =	vst v63  }
0x113: {  	p1 =	sgt.u32 s22, $0xA;
	s24 =	simm.s32 $0xFFFFFFEA  }
0x114: {  	s24 =	simm.s32 @!p1 $0x3  }
0x115: {  	s23 =	sadd.s32 s23, s24  }
0x116: {  	s23 =	smul.u32 $0x1F40, s23  }
.Ltmp5:
0x117: {  	_ = 	snop;
	(pc) =	sbr.rel .LBB2_2-.Ltmp5, $4  }
0x118: {  	_ = 	snop  }
0x119: {  	s23 =	sshra.s32 s23, $0x2  }
0x11a: {  	s22 =	sadd.s32 $0x1, s22;
	s23 =	sadd.s32 s23, s2  }
0x11b: {  	[tilespmem:s13], [sflag:$0x3] =	stream.linear.gather [spmem:s23], $0x7D0, $0x38;
	[tilespmem:$0x1B218] =	vst v63  }
.LBB2_9:
0x11c: {  	_ =	sfence.sel $0x180000  }
0x11d: {  	[bflag:$0x0] =	sbarrier.arrive $0xFFFF  }
0x11e: {  	_ =	strace $0x90000047  }
0x11f: {  	s0 =	sadd.s32 @!p0 $0x100000, s0;
	[bflag:$0x2] =	sbarrier.arrive $0xFFFF  }
0x120: {  	[sflag:s0] =	ssyncadd.tile.s32 @!p0 $0x1;
	_ =	shalt  }
.Lfunc_end2:
_tile_overlayer_lowered:
.L_overlay_start_2:
0x121: {  	(tag) =	ssettag $0x2  }
0x122: {  	s0 =	rddreg [dreg:$0x0];
	s2 =	stileid.u32  }
0x123: {  	s1 =	rddreg [dreg:$0x1];
	p0 =	sne.s32 s2, $0x0  }
0x124: {  	s3 =	rddreg [dreg:$0x2];
	[bflag:$0x3] =	sbarrier.arrive $0xFFFF;
	s2 =	simm.s32 @!p0 $0x1C06  }
0x125: {  	[timem:s3], [sflag:s2] =	dma.local @!p0 [hbm:s0], s1  }
0x126: {  	s0 =	simm.s32 @!p0 $0x6  }
0x127: {  	_ =	swait.ge @!p0 [sflag:s0], s1  }
0x128: {  	s1 =	ssub.s32 @!p0 $0x0, s1;
	[sflag:s0] =	ssyncset.done @!p0 $0x0  }
0x129: {  	[sflag:s0] =	ssyncadd.s32 @!p0 s1  }
0x12a: {  	[bflag:$0x3] =	sbarrier.arrive $0xFFFF  }
0x12b: {  	_ =	shalt  }

</sc_bundles>
